<compile_context>
chip_gen: v7x
topology: tpu7x:2x2x1
jax: 0.10.2.dev20260603
libtpu: 0.0.44.dev20260713+nightly
codegen_flags: <defaults>
</compile_context>

<pallas_src>
import functools

import jax
import jax.numpy as jnp
from jax import lax
from jax.experimental import pallas as pl
from jax.experimental.pallas import tpu as pltpu
from jax.experimental.pallas import tpu_sc as plsc

D = 16
CHUNK = 128
NCORES = 2
NSUB = 16
NTILES = NCORES * NSUB

_mesh = plsc.VectorSubcoreMesh(core_axis_name="c", subcore_axis_name="s")
_sc_params = pltpu.CompilerParams(use_tc_tiling_on_sc=False)
_sc_params_nl = pltpu.CompilerParams(use_tc_tiling_on_sc=False,
                                     needs_layout_passes=False)


def _pad_deg(n):
    return ((n + NSUB + 64 + 255) // 256) * 256


def _pad_rows(n):
    return ((n + NSUB + NSUB * 8 - 1) // (NSUB * 8)) * (NSUB * 8)


@functools.partial(jax.jit, static_argnames=("n", "k", "chunk"))
def _deg_pass(edge_r, *, n, k, chunk):
    np1 = _pad_deg(n)
    rps = np1 // NSUB

    @functools.partial(
        pl.kernel,
        mesh=_mesh,
        compiler_params=_sc_params,
        out_type=jax.ShapeDtypeStruct((NCORES, np1), jnp.float32),
        scratch_types=[
            pltpu.VMEM((k * chunk,), jnp.int32),
            pltpu.VMEM((chunk,), jnp.float32),
            pltpu.VMEM((rps,), jnp.float32),
            pltpu.VMEM_SHARED((np1,), jnp.float32),
            pltpu.SemaphoreType.DMA,
        ],
    )
    def deg_kernel(edge_hbm, out_hbm, dst_v, ones_v, zbuf_v, acc, semi):
        cid = lax.axis_index("c")
        sid = lax.axis_index("s")
        wid = cid * NSUB + sid
        ept = k * chunk

        pltpu.async_copy(edge_hbm.at[1, pl.ds(wid * ept, ept)], dst_v, semi)

        zv = jnp.zeros((D,), jnp.float32)

        @pl.loop(0, rps // D)
        def _(r):
            zbuf_v[pl.ds(r * D, D)] = zv

        ov = jnp.ones((D,), jnp.float32)

        @pl.loop(0, chunk // D)
        def _(r):
            ones_v[pl.ds(r * D, D)] = ov

        pltpu.sync_copy(zbuf_v, acc.at[pl.ds(sid * rps, rps)])
        plsc.subcore_barrier()
        pltpu.make_async_copy(edge_hbm.at[1, pl.ds(wid * ept, ept)],
                              dst_v, semi).wait()

        @pl.loop(0, k)
        def _(j):
            idx = dst_v.at[pl.ds(pl.multiple_of(j * chunk, 8), chunk)]
            pltpu.sync_copy(ones_v, acc.at[idx], add=True)

        plsc.subcore_barrier()
        pltpu.sync_copy(
            acc.at[pl.ds(sid * rps, rps)],
            out_hbm.at[cid, pl.ds(sid * rps, rps)],
        )

    return deg_kernel(edge_r)


def _pick_nb(k):
    for nb in (5, 4, 3, 2):
        if k % nb == 0 and k // nb >= 2:
            return nb
    return None


def _edge_loop(k, chunk, cs, y_spm, acc, src_v, dst_v, rows_v, sems):
    nb = _pick_nb(k)

    def gather(j, b):
        return pltpu.async_copy(y_spm.at[src_v.at[cs(j)]], rows_v.at[b],
                                sems[b])

    def scat(j, b):
        pltpu.sync_copy(rows_v.at[b], acc.at[dst_v.at[cs(j)]], add=True)

    def wait_g(j, b):
        pltpu.make_async_copy(y_spm.at[src_v.at[cs(j)]], rows_v.at[b],
                              sems[b]).wait()

    if nb is not None:
        for b in range(nb):
            gather(b, b)

        @pl.loop(0, k // nb - 1)
        def _(jj):
            j = jj * nb
            for b in range(nb):
                wait_g(j + b, b)
                scat(j + b, b)
                gather(j + nb + b, b)

        jl = k - nb
        for b in range(nb):
            wait_g(jl + b, b)
            scat(jl + b, b)
    else:
        gather(0, 0)
        wait_g(0, 0)

        @pl.loop(0, k - 1)
        def _(j):
            scat(j, 0)
            gather(j + 1, 0)
            wait_g(j + 1, 0)
        scat(k - 1, 0)


@functools.partial(jax.jit, static_argnames=("n", "k", "chunk"))
def _gather_scatter_pass(y, edge_r, *, n, k, chunk):
    np_ = _pad_rows(n)
    rps = np_ // NSUB

    stage = n // NSUB
    tail = n - NSUB * stage

    @functools.partial(
        pl.kernel,
        mesh=_mesh,
        compiler_params=_sc_params,
        out_type=jax.ShapeDtypeStruct((NCORES, np_, D), jnp.float32),
        scratch_types=[
            pltpu.VMEM((k * chunk,), jnp.int32),
            pltpu.VMEM((k * chunk,), jnp.int32),
            pltpu.VMEM((5, chunk, D), jnp.float32),
            pltpu.VMEM((rps, D), jnp.float32),
            pltpu.VMEM_SHARED((n, D), jnp.float32),
            pltpu.VMEM_SHARED((np_, D), jnp.float32),
            pltpu.SemaphoreType.DMA,
            pltpu.SemaphoreType.DMA,
            pltpu.SemaphoreType.DMA,
            pltpu.SemaphoreType.DMA,
            pltpu.SemaphoreType.DMA,
            pltpu.SemaphoreType.DMA,
        ],
    )
    def scat_kernel(y_hbm, edge_hbm, out_hbm, src_v, dst_v,
                    rows_v, zbuf_v, y_spm, acc, s0, s1, s2, s3, s4, semi):
        sems = (s0, s1, s2, s3, s4)
        cid = lax.axis_index("c")
        sid = lax.axis_index("s")
        wid = cid * NSUB + sid
        ept = k * chunk

        def cs(j, c=chunk):
            return pl.ds(pl.multiple_of(j * c, 8), c)

        pltpu.async_copy(edge_hbm.at[0, pl.ds(wid * ept, ept)], src_v, semi)
        pltpu.async_copy(edge_hbm.at[1, pl.ds(wid * ept, ept)], dst_v, semi)

        pltpu.sync_copy(y_hbm.at[pl.ds(sid * stage, stage)],
                        y_spm.at[pl.ds(sid * stage, stage)])
        if tail:
            @pl.when(sid == 0)
            def _():
                pltpu.sync_copy(y_hbm.at[pl.ds(NSUB * stage, tail)],
                                y_spm.at[pl.ds(NSUB * stage, tail)])

        @pl.loop(0, rps)
        def _(r):
            zbuf_v[r, :] = jnp.zeros((D,), jnp.float32)

        pltpu.sync_copy(zbuf_v, acc.at[pl.ds(sid * rps, rps)])
        plsc.subcore_barrier()

        pltpu.make_async_copy(edge_hbm.at[0, pl.ds(wid * ept, ept)],
                              src_v, semi).wait()
        pltpu.make_async_copy(edge_hbm.at[1, pl.ds(wid * ept, ept)],
                              dst_v, semi).wait()

        _edge_loop(k, chunk, cs, y_spm, acc, src_v, dst_v, rows_v, sems)

        plsc.subcore_barrier()
        pltpu.sync_copy(
            acc.at[pl.ds(sid * rps, rps)],
            out_hbm.at[cid, pl.ds(sid * rps, rps)],
        )

    return scat_kernel(y, edge_r)


@functools.partial(jax.jit, static_argnames=("n", "k", "chunk"))
def _fused_pass1(xw, degp, edge_r, *, n, k, chunk):
    np_ = _pad_rows(n)
    rps = np_ // NSUB
    stage = n // NSUB
    tail = n - NSUB * stage
    degstage = -(-stage // D) * D
    np1 = _pad_deg(n)
    pk = degstage + 2 * D

    @functools.partial(
        pl.kernel,
        mesh=_mesh,
        compiler_params=_sc_params_nl,
        out_type=(
            jax.ShapeDtypeStruct((NCORES, np_, D), jnp.float32),
            jax.ShapeDtypeStruct((n, D), jnp.float32),
            jax.ShapeDtypeStruct((n, D), jnp.float32),
        ),
        scratch_types=[
            pltpu.VMEM((k * chunk,), jnp.int32),
            pltpu.VMEM((k * chunk,), jnp.int32),
            pltpu.VMEM((5, chunk, D), jnp.float32),
            pltpu.VMEM((chunk, D), jnp.float32),
            pltpu.VMEM((rps, D), jnp.float32),
            pltpu.VMEM((degstage, D), jnp.float32),
            pltpu.VMEM((degstage, D), jnp.float32),
            pltpu.VMEM((stage + (NSUB * 8), D), jnp.float32),
            pltpu.VMEM((pk,), jnp.float32),
            pltpu.VMEM((pk,), jnp.float32),
            pltpu.VMEM((pk,), jnp.float32),
            pltpu.VMEM_SHARED((n, D), jnp.float32),
            pltpu.VMEM_SHARED((np_, D), jnp.float32),
            pltpu.SemaphoreType.DMA,
            pltpu.SemaphoreType.DMA,
            pltpu.SemaphoreType.DMA,
            pltpu.SemaphoreType.DMA,
            pltpu.SemaphoreType.DMA,
        ],
    )
    def fused_kernel(xw_hbm, degp_hbm, edge_hbm,
                     out_hbm, dis_hbm, dinv_hbm,
                     src_v, dst_v, rows_v, rows1_v, zbuf_v,
                     d0buf, d1buf, xwbuf, d0p, d1p, dis_pack,
                     y_spm, acc, s0, s1, s2, s3, s4):
        sems = (s0, s1, s2, s3, s4)
        cid = lax.axis_index("c")
        sid = lax.axis_index("s")
        wid = cid * NSUB + sid
        ept = k * chunk

        def cs(j, c=chunk):
            return pl.ds(pl.multiple_of(j * c, 8), c)

        iotav = lax.iota(jnp.int32, D)
        zerovf = jnp.zeros((D,), jnp.float32)

        @pl.loop(0, rps)
        def _(r):
            plsc.store_scatter(zbuf_v, [jnp.full((D,), r, jnp.int32), iotav],
                               zerovf)

        pltpu.sync_copy(zbuf_v, acc.at[pl.ds(sid * rps, rps)])

        base = sid * stage
        lo = pl.multiple_of((base // 8) * 8, 8)
        off = base - lo
        pltpu.sync_copy(degp_hbm.at[0, pl.ds(lo, degstage)],
                        d0p.at[pl.ds(0, degstage)])
        pltpu.sync_copy(degp_hbm.at[1, pl.ds(lo, degstage)],
                        d1p.at[pl.ds(0, degstage)])
        pltpu.sync_copy(xw_hbm.at[pl.ds(base, stage)],
                        xwbuf.at[pl.ds(0, stage)])

        onev = jnp.full((D,), 1.0, jnp.float32)
        halfv = jnp.full((D,), 0.5, jnp.float32)
        threehalfv = jnp.full((D,), 1.5, jnp.float32)
        magicv = jnp.full((D,), 0x5F3759DF, jnp.int32)
        shiftv = jnp.full((D,), 1, jnp.int32)
        zerov = jnp.zeros((D,), jnp.int32)

        def row_load(buf, r):
            return plsc.load_gather(buf, [jnp.full((D,), r, jnp.int32), iotav])

        def row_store(buf, r, x):
            plsc.store_scatter(buf, [jnp.full((D,), r, jnp.int32), iotav], x)

        def newton(deg):
            i = lax.bitcast_convert_type(deg, jnp.int32)
            i = magicv - lax.shift_right_arithmetic(i, shiftv)
            ys = lax.bitcast_convert_type(i, jnp.float32)
            for _ in range(3):
                ys = ys * (threehalfv - halfv * deg * ys * ys)
            return ys

        @pl.loop(0, degstage // D)
        def _(v):
            g0 = d0p[pl.ds(v * D, D)]
            g1 = d1p[pl.ds(v * D, D)]
            dis_pack[pl.ds(v * D, D)] = newton(g0 + g1 + onev)

        @pl.loop(0, stage)
        def _(r):
            splat = plsc.load_gather(dis_pack,
                                     [jnp.full((D,), off + r, jnp.int32)])
            row_store(d0buf, r, row_load(xwbuf, r) * splat)
            row_store(d1buf, r, splat)
            row_store(xwbuf, r, splat * splat)

        if tail:
            @pl.when(sid == 0)
            def _():
                lo2 = pl.multiple_of(((NSUB * stage) // 8) * 8, 8)
                off2 = NSUB * stage - lo2
                pltpu.sync_copy(degp_hbm.at[0, pl.ds(lo2, 2 * D)],
                                d0p.at[pl.ds(degstage, 2 * D)])
                pltpu.sync_copy(degp_hbm.at[1, pl.ds(lo2, 2 * D)],
                                d1p.at[pl.ds(degstage, 2 * D)])
                pltpu.sync_copy(xw_hbm.at[pl.ds(NSUB * stage, tail)],
                                xwbuf.at[pl.ds(stage, tail)])

                @pl.loop(0, 2)
                def _(w):
                    g0 = d0p[pl.ds(degstage + w * D, D)]
                    g1 = d1p[pl.ds(degstage + w * D, D)]
                    dis_pack[pl.ds(degstage + w * D, D)] = \
                        newton(g0 + g1 + onev)

                @pl.loop(0, tail)
                def _(r):
                    splat = plsc.load_gather(
                        dis_pack,
                        [jnp.full((D,), degstage + off2 + r, jnp.int32)])
                    row_store(rows1_v, D + r, row_load(xwbuf, stage + r)
                              * splat)
                    row_store(rows1_v, r, splat)
                    row_store(xwbuf, stage + r, splat * splat)

        pltpu.sync_copy(d0buf.at[pl.ds(0, stage)],
                        y_spm.at[pl.ds(base, stage)])

        @pl.when(cid == 0)
        def _():
            pltpu.sync_copy(d1buf.at[pl.ds(0, stage)],
                            dis_hbm.at[pl.ds(base, stage)])
            pltpu.sync_copy(xwbuf.at[pl.ds(0, stage)],
                            dinv_hbm.at[pl.ds(base, stage)])
        if tail:
            @pl.when(sid == 0)
            def _():
                pltpu.sync_copy(rows1_v.at[pl.ds(D, tail)],
                                y_spm.at[pl.ds(NSUB * stage, tail)])

                @pl.when(cid == 0)
                def _():
                    pltpu.sync_copy(rows1_v.at[pl.ds(0, tail)],
                                    dis_hbm.at[pl.ds(NSUB * stage, tail)])
                    pltpu.sync_copy(xwbuf.at[pl.ds(stage, tail)],
                                    dinv_hbm.at[pl.ds(NSUB * stage, tail)])

        plsc.subcore_barrier()

        pltpu.sync_copy(edge_hbm.at[0, pl.ds(wid * ept, ept)], src_v)
        pltpu.sync_copy(edge_hbm.at[1, pl.ds(wid * ept, ept)], dst_v)

        _edge_loop(k, chunk, cs, y_spm, acc, src_v, dst_v, rows_v, sems)

        plsc.subcore_barrier()
        pltpu.sync_copy(
            acc.at[pl.ds(sid * rps, rps)],
            out_hbm.at[cid, pl.ds(sid * rps, rps)],
        )

    return fused_kernel(xw, degp, edge_r)


def _mm_body(x_ref, w_ref, o_ref):
    o_ref[...] = jnp.dot(x_ref[...], w_ref[...],
                         preferred_element_type=jnp.float32)


def _make_layer1_body(n8):
    def _layer1_body(sp_ref, xw_ref, dis_ref, dinv_ref, b_ref, w2_ref,
                     y2_ref, hw2_ref):
        dis = dis_ref[...]
        s = sp_ref[0, :n8, :] + sp_ref[1, :n8, :]
        pre = dis * s + xw_ref[...] * dinv_ref[...] + b_ref[...]
        h = jnp.maximum(pre, 0.0)
        hw2 = jnp.dot(h, w2_ref[...], preferred_element_type=jnp.float32)
        hw2_ref[...] = hw2
        y2_ref[...] = hw2 * dis
    return _layer1_body


def _make_layer2_body(n8):
    def _layer2_body(sp_ref, hw2_ref, dis_ref, dinv_ref, b_ref, o_ref):
        s = sp_ref[0, :n8, :] + sp_ref[1, :n8, :]
        o_ref[...] = dis_ref[...] * s + hw2_ref[...] * dinv_ref[...] \
            + b_ref[...]
    return _layer2_body


def _pick_chunk(ept):
    for c in range(128, 7, -8):
        if ept % c == 0 and (ept // c) % 2 == 1 and ept // c >= 3:
            return c
    return None


def kernel(x, edge_index, W1, b1, W2, b2):
    n = x.shape[0]
    e = edge_index.shape[1]
    np_ = _pad_rows(n)

    chunk = _pick_chunk(e // NTILES) if e % NTILES == 0 else None
    if chunk is not None:
        k = e // (NTILES * chunk)
        edge_r = edge_index
    else:
        chunk = CHUNK
        k = -(-e // (NTILES * chunk))
        if k % 2 == 0:
            k += 1
        pad = NTILES * k * chunk - e
        srcp = jnp.concatenate([edge_index[0], jnp.zeros((pad,), jnp.int32)])
        dstp = jnp.concatenate([edge_index[1], jnp.full((pad,), n, jnp.int32)])
        edge_r = jnp.stack([srcp, dstp])

    n8 = n // 8
    fshape = jax.ShapeDtypeStruct((n8, 8 * D), jnp.float32)
    eye8 = jnp.eye(8, dtype=jnp.float32)
    w1bd = jnp.kron(eye8, W1)
    w2bd = jnp.kron(eye8, W2)
    b1t = jnp.tile(b1, 8).reshape(1, 8 * D)
    b2t = jnp.tile(b2, 8).reshape(1, 8 * D)
    xr = x.reshape(n8, 8 * x.shape[1])

    np8 = _pad_rows(n) // 8

    degp = _deg_pass(edge_r, n=n, k=k, chunk=chunk)
    xw1 = pl.pallas_call(_mm_body, out_shape=fshape)(xr, w1bd)

    s1p, dis, dinv = _fused_pass1(xw1.reshape(n, D), degp, edge_r,
                                  n=n, k=k, chunk=chunk)

    y2, hw2 = pl.pallas_call(
        _make_layer1_body(n8), out_shape=(fshape, fshape)
    )(s1p.reshape(NCORES, np8, 8 * D), xw1, dis.reshape(n8, 8 * D),
      dinv.reshape(n8, 8 * D), b1t, w2bd)

    s2p = _gather_scatter_pass(y2.reshape(n, D), edge_r,
                               n=n, k=k, chunk=chunk)

    out = pl.pallas_call(
        _make_layer2_body(n8), out_shape=fshape
    )(s2p.reshape(NCORES, np8, 8 * D), hw2,
      dis.reshape(n8, 8 * D), dinv.reshape(n8, 8 * D), b2t)
    return out.reshape(n, D)

# --- scband reference (transcript-rebuilt; emitter-appended) ---
"""Pipeline reference for scband-gnnrecommender-47760036331720 (READ-ONLY COPY).

The authoritative reference and input builder live on the scoring server;
editing this copy changes nothing except your own understanding.
"""

import jax, jax.numpy as jnp
import numpy as np

N = 10000
E = 320000
D_IN = 128
D_HID = 16
D_OUT = 16


def gcn_conv(x, edge_index, W, b):
    # Faithful GCNConv: add self-loops, symmetric normalization D^-1/2 (A+I) D^-1/2 X W + b
    n = x.shape[0]
    loop = jnp.arange(n, dtype=edge_index.dtype)
    src = jnp.concatenate([edge_index[0], loop])
    dst = jnp.concatenate([edge_index[1], loop])
    deg = jnp.zeros((n,), dtype=x.dtype).at[dst].add(1.0)
    deg_inv_sqrt = jnp.where(deg > 0, jax.lax.rsqrt(jnp.maximum(deg, 1e-12)), 0.0)
    norm = deg_inv_sqrt[src] * deg_inv_sqrt[dst]
    xw = x @ W
    msgs = xw[src] * norm[:, None]
    out = jnp.zeros((n, W.shape[1]), dtype=x.dtype).at[dst].add(msgs)
    return out + b


def setup_inputs(seed: int = 0) -> dict:
    key = jax.random.key(seed)
    k1, k2, k3, k4 = jax.random.split(key, 4)
    x = jax.random.normal(k1, (N, D_IN), dtype=jnp.float32)
    edge_index = jax.random.randint(k2, (2, E), 0, N, dtype=jnp.int32)
    W1 = jax.random.normal(k3, (D_IN, D_HID), dtype=jnp.float32) * (1.0 / np.sqrt(D_IN))
    b1 = jnp.zeros((D_HID,), dtype=jnp.float32)
    W2 = jax.random.normal(k4, (D_HID, D_OUT), dtype=jnp.float32) * (1.0 / np.sqrt(D_HID))
    b2 = jnp.zeros((D_OUT,), dtype=jnp.float32)
    return {"x": x, "edge_index": edge_index, "W1": W1, "b1": b1, "W2": W2, "b2": b2}


def reference(x, edge_index, W1, b1, W2, b2):
    h = jax.nn.relu(gcn_conv(x, edge_index, W1, b1))
    out = gcn_conv(h, edge_index, W2, b2)
    return out

if __name__ == "__main__":
    import jax
    _d = setup_inputs()
    print(jax.jit(kernel)(*tuple(_d.values())))

</pallas_src>

<mosaic_0001>
#map = affine_map<(d0, d1) -> (0, 0)>
module attributes {stable_mosaic.version = 14 : i64} {
  func.func @deg_kernel(%arg0: i32, %arg1: i32, %arg2: memref<2x320000xi32, #tpu.memory_space<hbm>>, %arg3: memref<2x10240xf32, #tpu.memory_space<hbm>>, %arg4: memref<10000xi32, #tpu.memory_space<vmem>>, %arg5: memref<80xf32, #tpu.memory_space<vmem>>, %arg6: memref<640xf32, #tpu.memory_space<vmem>>, %arg7: memref<10240xf32, #tpu.memory_space<vmem_shared>>, %arg8: memref<!tpu.dma_semaphore, #tpu.memory_space<semaphore_mem>>) attributes {dimension_semantics = [#tpu.dimension_semantics<core_parallel>, #tpu.dimension_semantics<subcore_parallel>], iteration_bounds = array<i64: 2, 16>, scalar_prefetch = 0 : i64, scratch_operands = 5 : i64, tpu.core_type = #tpu.core_type<sc_vector_subcore>, window_params = [{transform_indices = #map}, {transform_indices = #map}]} {
    %mul3A = arith.constant 16 : i32
    %mul3A_0 = arith.muli %arg0, %mul3A : i32
    %add3A = arith.addi %mul3A_0, %arg1 : i32
    %mul3A_1 = arith.constant 10000 : i32
    %mul3A_2 = arith.muli %add3A, %mul3A_1 : i32
    %dma_start3A = arith.constant 1 : i32
    %dma_start3A_3 = tpu.memref_slice %arg2[%dma_start3A, %mul3A_2] : memref<2x320000xi32, #tpu.memory_space<hbm>> -> memref<1x10000xi32, #tpu.memory_space<hbm>>
    %dma_start3A_4 = tpu.memref_squeeze %dma_start3A_3 : memref<1x10000xi32, #tpu.memory_space<hbm>> -> memref<10000xi32, #tpu.memory_space<hbm>>
    %dma_start3A_5 = tpu.memref_slice %arg2[%dma_start3A, %mul3A_2] : memref<2x320000xi32, #tpu.memory_space<hbm>> -> memref<1x10000xi32, #tpu.memory_space<hbm>>
    %dma_start3A_6 = tpu.memref_squeeze %dma_start3A_5 : memref<1x10000xi32, #tpu.memory_space<hbm>> -> memref<10000xi32, #tpu.memory_space<hbm>>
    tpu.enqueue_dma source(%dma_start3A_6 : memref<10000xi32, #tpu.memory_space<hbm>>) target(%arg4 : memref<10000xi32, #tpu.memory_space<vmem>>) target_semaphore(%arg8 : memref<!tpu.dma_semaphore, #tpu.memory_space<semaphore_mem>>)
    %broadcast_in_dim3A = arith.constant 0.000000e+00 : f32
    %broadcast_in_dim3A_7 = vector.broadcast %broadcast_in_dim3A : f32 to vector<16xf32>
    %scan3A = arith.constant 0 : i32
    %scan3A_8 = arith.constant 40 : i32
    %scan3A_9 = arith.addi %scan3A, %scan3A_8 : i32
    %scan3A_10 = arith.constant 1 : i32
    scf.for %scan3A_37 = %scan3A to %scan3A_9 step %scan3A_10  : i32 {
      %mul3A_38 = arith.constant 1 : i32
      %mul3A_39 = arith.muli %scan3A_37, %mul3A_38 : i32
      %add3A_40 = arith.constant 0 : i32
      %add3A_41 = arith.addi %add3A_40, %mul3A_39 : i32
      %mul3A_42 = arith.constant 16 : i32
      %mul3A_43 = arith.muli %add3A_41, %mul3A_42 : i32
      %swap3A = arith.index_cast %mul3A_43 : i32 to index
      %swap3A_44 = tpu.vector_load %arg6[%swap3A] {strides = array<i32>} : memref<640xf32, #tpu.memory_space<vmem>>, vector<16xf32>,
      %swap3A_45 = vector.shape_cast %swap3A_44 : vector<16xf32> to vector<16xf32>
      %swap3A_46 = vector.shape_cast %broadcast_in_dim3A_7 : vector<16xf32> to vector<16xf32>
      tpu.vector_store %arg6[%swap3A], %swap3A_46 {strides = array<i32>} : memref<640xf32, #tpu.memory_space<vmem>>, vector<16xf32>,
    }
    %scan3A_11 = arith.constant 40 : i32
    %broadcast_in_dim3A_12 = arith.constant 1.000000e+00 : f32
    %broadcast_in_dim3A_13 = vector.broadcast %broadcast_in_dim3A_12 : f32 to vector<16xf32>
    %scan3A_14 = arith.constant 0 : i32
    %scan3A_15 = arith.constant 5 : i32
    %scan3A_16 = arith.addi %scan3A_14, %scan3A_15 : i32
    %scan3A_17 = arith.constant 1 : i32
    scf.for %scan3A_37 = %scan3A_14 to %scan3A_16 step %scan3A_17  : i32 {
      %mul3A_38 = arith.constant 1 : i32
      %mul3A_39 = arith.muli %scan3A_37, %mul3A_38 : i32
      %add3A_40 = arith.constant 0 : i32
      %add3A_41 = arith.addi %add3A_40, %mul3A_39 : i32
      %mul3A_42 = arith.constant 16 : i32
      %mul3A_43 = arith.muli %add3A_41, %mul3A_42 : i32
      %swap3A = arith.index_cast %mul3A_43 : i32 to index
      %swap3A_44 = tpu.vector_load %arg5[%swap3A] {strides = array<i32>} : memref<80xf32, #tpu.memory_space<vmem>>, vector<16xf32>,
      %swap3A_45 = vector.shape_cast %swap3A_44 : vector<16xf32> to vector<16xf32>
      %swap3A_46 = vector.shape_cast %broadcast_in_dim3A_13 : vector<16xf32> to vector<16xf32>
      tpu.vector_store %arg5[%swap3A], %swap3A_46 {strides = array<i32>} : memref<80xf32, #tpu.memory_space<vmem>>, vector<16xf32>,
    }
    %scan3A_18 = arith.constant 5 : i32
    %mul3A_19 = arith.constant 640 : i32
    %mul3A_20 = arith.muli %arg1, %mul3A_19 : i32
    "tpu.region"() ({
      %run_scoped3A = tpu.sem_alloc : memref<!tpu.dma_semaphore, #tpu.memory_space<semaphore_mem>>
      %dma_start3A_37 = tpu.memref_slice %arg7[%mul3A_20] : memref<10240xf32, #tpu.memory_space<vmem_shared>> -> memref<640xf32, #tpu.memory_space<vmem_shared>>
      %dma_start3A_38 = tpu.memref_slice %arg7[%mul3A_20] : memref<10240xf32, #tpu.memory_space<vmem_shared>> -> memref<640xf32, #tpu.memory_space<vmem_shared>>
      tpu.enqueue_dma source(%arg6 : memref<640xf32, #tpu.memory_space<vmem>>) target(%dma_start3A_38 : memref<640xf32, #tpu.memory_space<vmem_shared>>) target_semaphore(%run_scoped3A : memref<!tpu.dma_semaphore, #tpu.memory_space<semaphore_mem>>)
      %dma_wait3A_39 = tpu.memref_slice %arg7[%mul3A_20] : memref<10240xf32, #tpu.memory_space<vmem_shared>> -> memref<640xf32, #tpu.memory_space<vmem_shared>>
      %dma_wait3A_40 = tpu.memref_slice %arg7[%mul3A_20] : memref<10240xf32, #tpu.memory_space<vmem_shared>> -> memref<640xf32, #tpu.memory_space<vmem_shared>>
      tpu.wait_dma2 semaphore(%run_scoped3A : memref<!tpu.dma_semaphore, #tpu.memory_space<semaphore_mem>>) src(%arg6 : memref<640xf32, #tpu.memory_space<vmem>>) dst(%dma_wait3A_40 : memref<640xf32, #tpu.memory_space<vmem_shared>>)
      tpu.yield
    }) : () -> ()
    %barrier3A = arith.constant 0 : index
    tpu.barrier barrier_id(%barrier3A)
    %mul3A_21 = arith.constant 10000 : i32
    %mul3A_22 = arith.muli %add3A, %mul3A_21 : i32
    %dma_wait3A = arith.constant 1 : i32
    %dma_wait3A_23 = tpu.memref_slice %arg2[%dma_wait3A, %mul3A_22] : memref<2x320000xi32, #tpu.memory_space<hbm>> -> memref<1x10000xi32, #tpu.memory_space<hbm>>
    %dma_wait3A_24 = tpu.memref_squeeze %dma_wait3A_23 : memref<1x10000xi32, #tpu.memory_space<hbm>> -> memref<10000xi32, #tpu.memory_space<hbm>>
    %dma_wait3A_25 = tpu.memref_slice %arg2[%dma_wait3A, %mul3A_22] : memref<2x320000xi32, #tpu.memory_space<hbm>> -> memref<1x10000xi32, #tpu.memory_space<hbm>>
    %dma_wait3A_26 = tpu.memref_squeeze %dma_wait3A_25 : memref<1x10000xi32, #tpu.memory_space<hbm>> -> memref<10000xi32, #tpu.memory_space<hbm>>
    tpu.wait_dma2 semaphore(%arg8 : memref<!tpu.dma_semaphore, #tpu.memory_space<semaphore_mem>>) src(%dma_wait3A_26 : memref<10000xi32, #tpu.memory_space<hbm>>) dst(%arg4 : memref<10000xi32, #tpu.memory_space<vmem>>)
    %scan3A_27 = arith.constant 0 : i32
    %scan3A_28 = arith.constant 125 : i32
    %scan3A_29 = arith.addi %scan3A_27, %scan3A_28 : i32
    %scan3A_30 = arith.constant 1 : i32
    scf.for %scan3A_37 = %scan3A_27 to %scan3A_29 step %scan3A_30  : i32 {
      %mul3A_38 = arith.constant 1 : i32
      %mul3A_39 = arith.muli %scan3A_37, %mul3A_38 : i32
      %add3A_40 = arith.constant 0 : i32
      %add3A_41 = arith.addi %add3A_40, %mul3A_39 : i32
      %mul3A_42 = arith.constant 80 : i32
      %mul3A_43 = arith.muli %add3A_41, %mul3A_42 : i32
      %multiple_of3A = tpu.assume_multiple %mul3A_43, 8 : i32
      "tpu.region"() ({
        %run_scoped3A = tpu.sem_alloc : memref<!tpu.dma_semaphore, #tpu.memory_space<semaphore_mem>>
        %dma_start3A_44 = tpu.memref_slice %arg4[%multiple_of3A] : memref<10000xi32, #tpu.memory_space<vmem>> -> memref<80xi32, #tpu.memory_space<vmem>>
        %dma_start3A_45 = arith.constant 0 : i32
        %dma_start3A_46 = tpu.memref_slice %arg7[%dma_start3A_45] : memref<10240xf32, #tpu.memory_space<vmem_shared>> -> memref<10240xf32, #tpu.memory_space<vmem_shared>>
        tpu.enqueue_indirect_dma source(%arg5 : memref<80xf32, #tpu.memory_space<vmem>>) target(%dma_start3A_46 : memref<10240xf32, #tpu.memory_space<vmem_shared>>) offsets(%dma_start3A_44 : memref<80xi32, #tpu.memory_space<vmem>>) semaphore(%run_scoped3A : memref<!tpu.dma_semaphore, #tpu.memory_space<semaphore_mem>>) {add = true}
        %dma_wait3A_47 = tpu.memref_slice %arg4[%multiple_of3A] : memref<10000xi32, #tpu.memory_space<vmem>> -> memref<80xi32, #tpu.memory_space<vmem>>
        %dma_wait3A_48 = arith.constant 0 : i32
        %dma_wait3A_49 = tpu.memref_slice %arg7[%dma_wait3A_48] : memref<10240xf32, #tpu.memory_space<vmem_shared>> -> memref<10240xf32, #tpu.memory_space<vmem_shared>>
        tpu.wait_indirect_dma semaphore(%run_scoped3A : memref<!tpu.dma_semaphore, #tpu.memory_space<semaphore_mem>>) src(%arg5 : memref<80xf32, #tpu.memory_space<vmem>>) dst(%dma_wait3A_49 : memref<10240xf32, #tpu.memory_space<vmem_shared>>)
        tpu.yield
      }) : () -> ()
    }
    %scan3A_31 = arith.constant 125 : i32
    %barrier3A_32 = arith.constant 0 : index
    tpu.barrier barrier_id(%barrier3A_32)
    %mul3A_33 = arith.constant 640 : i32
    %mul3A_34 = arith.muli %arg1, %mul3A_33 : i32
    %mul3A_35 = arith.constant 640 : i32
    %mul3A_36 = arith.muli %arg1, %mul3A_35 : i32
    "tpu.region"() ({
      %run_scoped3A = tpu.sem_alloc : memref<!tpu.dma_semaphore, #tpu.memory_space<semaphore_mem>>
      %dma_start3A_37 = tpu.memref_slice %arg3[%arg0, %mul3A_36] : memref<2x10240xf32, #tpu.memory_space<hbm>> -> memref<1x640xf32, #tpu.memory_space<hbm>>
      %dma_start3A_38 = tpu.memref_squeeze %dma_start3A_37 : memref<1x640xf32, #tpu.memory_space<hbm>> -> memref<640xf32, #tpu.memory_space<hbm>>
      %dma_start3A_39 = tpu.memref_slice %arg7[%mul3A_34] : memref<10240xf32, #tpu.memory_space<vmem_shared>> -> memref<640xf32, #tpu.memory_space<vmem_shared>>
      tpu.enqueue_dma source(%dma_start3A_39 : memref<640xf32, #tpu.memory_space<vmem_shared>>) target(%dma_start3A_38 : memref<640xf32, #tpu.memory_space<hbm>>) target_semaphore(%run_scoped3A : memref<!tpu.dma_semaphore, #tpu.memory_space<semaphore_mem>>)
      %dma_wait3A_40 = tpu.memref_slice %arg3[%arg0, %mul3A_36] : memref<2x10240xf32, #tpu.memory_space<hbm>> -> memref<1x640xf32, #tpu.memory_space<hbm>>
      %dma_wait3A_41 = tpu.memref_squeeze %dma_wait3A_40 : memref<1x640xf32, #tpu.memory_space<hbm>> -> memref<640xf32, #tpu.memory_space<hbm>>
      %dma_wait3A_42 = tpu.memref_slice %arg7[%mul3A_34] : memref<10240xf32, #tpu.memory_space<vmem_shared>> -> memref<640xf32, #tpu.memory_space<vmem_shared>>
      tpu.wait_dma2 semaphore(%run_scoped3A : memref<!tpu.dma_semaphore, #tpu.memory_space<semaphore_mem>>) src(%dma_wait3A_42 : memref<640xf32, #tpu.memory_space<vmem_shared>>) dst(%dma_wait3A_41 : memref<640xf32, #tpu.memory_space<hbm>>)
      tpu.yield
    }) : () -> ()
    return
  }
}

</mosaic_0001>

<sc_bundles>
// kernel: _deg_pass.3.cloned.1.call-start
scs
__scs_entry_jumppad:
0x0: {  	(pc) =	sbr.rel $0x88, $3  }
0x1: {  	(tag) =	ssettag $0x0;
	lr =	simm.s32 $0x1  }
0x2: {  	[smem:$0x3FA0] =	sst lr;
	_ =	strace $0xD0000000  }
0x3: {  	_ = 	snop  }
0x4: {  	_ = 	snop  }
0x5: {  	_ = 	snop  }
0x6: {  	_ = 	snop  }
0x7: {  	_ = 	snop  }
__scs_overlays_trampoline_lowered:
0x8: {  	[smem:$0x3FAF] =	sst s0  }
0x9: {  	[smem:$0x3FB0] =	sst s1  }
0xa: {  	[smem:$0x3FB1] =	sst s2  }
0xb: {  	[smem:$0x3FB2] =	sst s3  }
0xc: {  	[smem:$0x3FB3] =	sst s4  }
0xd: {  	[smem:$0x3FB4] =	sst s5  }
0xe: {  	[smem:$0x3FB5] =	sst s6  }
0xf: {  	[smem:$0x3FB6] =	sst s7  }
0x10: {  	[smem:$0x3FB7] =	sst s8  }
0x11: {  	[smem:$0x3FB8] =	sst s9;
	s0 =	simm.s32 @!p0 $0x0  }
0x12: {  	s1 =	sld [smem:$0x3F9E];
	s0 =	simm.s32 @p0 $0x1  }
0x13: {  	[smem:$0x3FB9] =	sst s0;
	s0 =	simm.s32 @!p1 $0x0  }
0x14: {  	s2 =	sld [smem:$0x3F9D];
	s0 =	simm.s32 @p1 $0x1  }
0x15: {  	[smem:$0x3FBA] =	sst s0;
	s0 =	simm.s32 @!p2 $0x0  }
0x16: {  	s3 =	sld [smem:$0x3FDB];
	s0 =	simm.s32 @p2 $0x1  }
0x17: {  	s4 =	simm.s32 $0x1BF5;
	[smem:$0x3FBC] =	sst s0  }
0x18: {  	s0 =	sld [smem:$0x3F9F];
	_ =	swait.ge [sflag:s4], $0x0  }
0x19: {  	s7 =	sld [smem:$0x3FA0]  }
0x1a: {  	s8 =	sadd.s32 $0xFFFFE003, lr  }
0x1b: {  	s9 =	sadd.s32 $0xFFFFFEF7, lr;
	s5 =	simm.s32 $0xFFFFFFFF;
	p2 =	slt.u32 s8, $0xFFFFF086  }
0x1c: {  	p1 =	slt.u32 s9, $0xF7A;
	s5 =	simm.s32 @!p2 $0x0  }
0x1d: {  	s5 =	simm.s32 @p1 $0x1;
	p0 =	seq.s32 s7, s2  }
0x1e: {  	s7 =	smul.u32 @!p0 $0xF7A, s2;
	p2 =	seq.s32 @!p0 s5, $0x0  }
0x1f: {  	s9 =	smul.u32 $0xF7A, s1;
	s8 =	simm.s32 @!p0 $0x1BF5;
	p2 =	por !p2, p0  }
0x20: {  	[sflag:s8] =	ssyncset.s32 @!p0 $0xFFFFF086;
	s6 =	sadd.s32 @!p0 s3, s7;
	s7 =	simm.s32 @!p0 $0x108  }
0x21: {  	s3 =	sadd.s32 s3, s9;
	s6 =	sadd.s32 @!p0 $0x88, s6;
	s7 =	simm.s32 @p2 $0x1082  }
0x22: {  	[simem:s7], [sflag:s8] =	dma.local @!p0 [hbm:s6], $0xF7A  }
0x23: {  	s9 =	sor.u32 $0xD0000000, s2;
	s6 =	simm.s32 $0x108;
	_ =	swait.ge @!p0 [sflag:s8], $0x0  }
0x24: {  	s3 =	sadd.s32 $0x88, s3;
	s6 =	simm.s32 @!p1 $0x1082;
	[sflag:s4] =	ssyncset.s32 $0xFFFFF086  }
0x25: {  	[simem:s6], [sflag:s4] =	dma.local [hbm:s3], $0xF7A  }
0x26: {  	[smem:$0x3FA0] =	sst s1;
	(tag) =	ssettag s2;
	_ =	strace s9  }
0x27: {  	s1 =	sld [smem:$0x3FB0]  }
0x28: {  	s2 =	sld [smem:$0x3FB1]  }
0x29: {  	s4 =	sld [smem:$0x3FB3]  }
0x2a: {  	p0 =	seq.s32 s5, $0x0;
	s5 =	sld [smem:$0x3FB4]  }
0x2b: {  	s6 =	sld [smem:$0x3FB5]  }
0x2c: {  	s7 =	sld [smem:$0x3FB6]  }
0x2d: {  	s3 =	simm.s32 $0x108;
	s8 =	sld [smem:$0x3FB7]  }
0x2e: {  	s3 =	simm.s32 @!p0 $0x1082;
	s9 =	sld [smem:$0x3FB8]  }
0x2f: {  	lr =	sadd.s32 s0, s3;
	s0 =	sld [smem:$0x3FAF]  }
0x30: {  	s3 =	sld [smem:$0x3FB2]  }
0x31: {  	[smem:$0x3FBB] =	sst s10  }
0x32: {  	s10 =	sld [smem:$0x3FB9];
	_ =	sdelay $0x3  }
0x33: {  	p0 =	seq.s32 s10, $0x1;
	s10 =	sld [smem:$0x3FBB];
	_ =	sdelay $0x3  }
0x34: {  	[smem:$0x3FBB] =	sst s10  }
0x35: {  	s10 =	sld [smem:$0x3FBA];
	_ =	sdelay $0x3  }
0x36: {  	p1 =	seq.s32 s10, $0x1;
	s10 =	sld [smem:$0x3FBB];
	_ =	sdelay $0x3  }
0x37: {  	[smem:$0x3FBB] =	sst s10  }
0x38: {  	s10 =	sld [smem:$0x3FBC]  }
0x39: {  	_ = 	snop;
	(pc) =	sbr.ind lr, $3  }
0x3a: {  	_ = 	snop  }
0x3b: {  	_ = 	snop  }
0x3c: {  	p2 =	seq.s32 s10, $0x1;
	s10 =	sld [smem:$0x3FBB]  }
0x3d: {  	_ =	shalt  }
0x3e: {  	_ =	shalt  }
0x3f: {  	_ =	shalt  }
0x40: {  	_ =	shalt  }
0x41: {  	_ =	shalt  }
0x42: {  	_ =	shalt  }
0x43: {  	_ =	shalt  }
0x44: {  	_ =	shalt  }
0x45: {  	_ =	shalt  }
0x46: {  	_ =	shalt  }
0x47: {  	_ =	shalt  }
0x48: {  	_ =	shalt  }
0x49: {  	_ =	shalt  }
0x4a: {  	_ =	shalt  }
0x4b: {  	_ =	shalt  }
0x4c: {  	_ =	shalt  }
0x4d: {  	_ =	shalt  }
0x4e: {  	_ =	shalt  }
0x4f: {  	_ =	shalt  }
0x50: {  	_ =	shalt  }
0x51: {  	_ =	shalt  }
0x52: {  	_ =	shalt  }
0x53: {  	_ =	shalt  }
0x54: {  	_ =	shalt  }
0x55: {  	_ =	shalt  }
0x56: {  	_ =	shalt  }
0x57: {  	_ =	shalt  }
0x58: {  	_ =	shalt  }
0x59: {  	_ =	shalt  }
0x5a: {  	_ =	shalt  }
0x5b: {  	_ =	shalt  }
0x5c: {  	_ =	shalt  }
0x5d: {  	_ =	shalt  }
0x5e: {  	_ =	shalt  }
0x5f: {  	_ =	shalt  }
0x60: {  	_ =	shalt  }
0x61: {  	_ =	shalt  }
0x62: {  	_ =	shalt  }
0x63: {  	_ =	shalt  }
0x64: {  	_ =	shalt  }
0x65: {  	_ =	shalt  }
0x66: {  	_ =	shalt  }
0x67: {  	_ =	shalt  }
0x68: {  	_ =	shalt  }
0x69: {  	_ =	shalt  }
0x6a: {  	_ =	shalt  }
0x6b: {  	_ =	shalt  }
0x6c: {  	_ =	shalt  }
0x6d: {  	_ =	shalt  }
0x6e: {  	_ =	shalt  }
0x6f: {  	_ =	shalt  }
0x70: {  	_ =	shalt  }
0x71: {  	_ =	shalt  }
0x72: {  	_ =	shalt  }
0x73: {  	_ =	shalt  }
0x74: {  	_ =	shalt  }
0x75: {  	_ =	shalt  }
0x76: {  	_ =	shalt  }
0x77: {  	_ =	shalt  }
0x78: {  	_ =	shalt  }
0x79: {  	_ =	shalt  }
0x7a: {  	_ =	shalt  }
0x7b: {  	_ =	shalt  }
0x7c: {  	_ =	shalt  }
0x7d: {  	_ =	shalt  }
0x7e: {  	_ =	shalt  }
0x7f: {  	_ =	shalt  }
0x80: {  	_ =	shalt  }
0x81: {  	_ =	shalt  }
0x82: {  	_ =	shalt  }
0x83: {  	_ =	shalt  }
0x84: {  	_ =	shalt  }
0x85: {  	_ =	shalt  }
0x86: {  	_ =	shalt  }
0x87: {  	_ =	shalt  }
.Lfunc_end0:
.L_simem_size_0:
called_computation_lowered:
.L_overlay_start_0:
0x88: {  	s2 =	sld [smem:$0x3FD9]  }
0x89: {  	s3 =	sld [smem:$0x3FFE];
	_ =	sdelay $0x1  }
0x8a: {  	s1 =	srdreg.scid  }
0x8b: {  	s0 =	sand.u32 $0x1, s1  }
0x8c: {  	s16 =	sshll.u32 s0, $0xA;
	s2 =	sadd.s32 s3, s2  }
0x8d: {  	s2 =	sadd.s32 s2, s16  }
0x8e: {  	[smem:$0x3FC7] =	sst s2  }
0x8f: {  	_ = 	snop  }
0x90: {  	(tm) =	ssettm $0x1  }
0x91: {  	s17 =	sld [smem:$0x3FFB];
	_ =	sdelay $0x3  }
0x92: {  	_ =	strace s17  }
0x93: {  	s2 =	sld [smem:$0x3FFC];
	_ =	sdelay $0x3  }
0x94: {  	_ =	strace s2  }
0x95: {  	s2 =	sld [smem:$0x3FFD];
	_ =	sdelay $0x3  }
0x96: {  	_ =	strace s2  }
0x97: {  	_ =	strace $0x8FFFFFFF  }
0x98: {  	s18 =	sld [smem:$0x3FDB];
	_ =	sdelay $0x1  }
0x99: {  	s19 =	simm.s32 $_scs_section_size  }
0x9a: {  	s4 =	simm.s32 $_size__tile_overlayer_lowered;
	s5 =	simm.s32 $_tile_overlayer_lowered  }
0x9b: {  	s22 =	simm.s32 $0x1BFF;
	s21 =	sshll.u32 s5, $0x1;
	s2 =	sadd.s32 s19, s18  }
0x9c: {  	s6 =	simm.s32 $0x0;
	s20 =	sshll.u32 s4, $0x1;
	s4 =	sadd.s32 s21, s2  }
0x9d: {  	[timem:s6], [sflag:s22] =	dma.local [hbm:s4], s20  }
0x9e: {  	_ =	swait.ge [sflag:s22], s20  }
0x9f: {  	s3 =	ssub.s32 $0x0, s20;
	[sflag:s22] =	ssyncset.done $0x0  }
0xa0: {  	[sflag:s22] =	ssyncadd.s32 s3;
	_ =	sdelay $0x1  }
0xa1: {  	s23 =	simm.s32 $0x1B8B  }
0xa2: {  	_ =	swait.ge [sflag:s23], $0x1  }
0xa3: {  	[sflag:s23] =	ssyncset.done $0x0  }
0xa4: {  	s25 =	simm.s32 $0x1B8E;
	s24 =	sld [smem:$0x3FFE];
	[sflag:s23] =	ssyncadd.s32 $0xFFFFFFFF  }
0xa5: {  	s26 =	simm.s32 $execute0_lowered;
	[smem:$0x3FD2] =	sst s25  }
0xa6: {  	s4 =	sshll.u32 s26, $0x1;
	_ =	strace $0x80000046;
	[dreg:$0x1] =	wrdreg $0xFFFFFFFF  }
0xa7: {  	s28 =	simm.s32 $_size_execute0_lowered;
	s2 =	sadd.s32 s2, s4;
	[dreg:$0x0] =	wrdreg $0x0  }
0xa8: {  	s4 =	sshll.u32 s28, $0x1;
	[dreg:$0x2] =	wrdreg s2  }
0xa9: {  	[dreg:$0x3] =	wrdreg s4  }
0xaa: {  	[dreg:$0x4] =	wrdreg $0xC0  }
0xab: {  	_ =	task [dreg:s6], $0x5FFFF  }
0xac: {  	[dreg:$0x1] =	wrdreg $0xFFFFFFFF  }
0xad: {  	[dreg:$0x0] =	wrdreg $0x60  }
0xae: {  	[dreg:$0x2] =	wrdreg s24  }
0xaf: {  	[dreg:$0x3] =	wrdreg $0x29E00  }
0xb0: {  	[dreg:$0x4] =	wrdreg $0x9  }
0xb1: {  	_ =	task.clear_ibuf [dreg:s6], $0x5FFFF;
	_ =	strace $0x90000046  }
0xb2: {  	s29 =	simm.s32 $0x9;
	_ =	strace $0x80000048  }
0xb3: {  	_ =	swait.ge [sflag:s29], $0x1  }
0xb4: {  	[sflag:s29] =	ssyncadd.s32 $0xFFFFFFFF  }
0xb5: {  	_ =	strace $0x90000048  }
0xb6: {  	_ =	sfence  }
0xb7: {  	s30 =	sld [smem:$0x0];
	_ =	sdelay $0x2  }
0xb8: {  	s31 =	sshll.u32 s1, $0xD;
	s1 =	sshrl.u32 s1, $0x2  }
0xb9: {  	s3 =	sand.u32 $0x4000, s31;
	s1 =	sadd.s32 s1, s30  }
0xba: {  	s0 =	sor.u32 s3, s0;
	s1 =	sshll.u32 s1, $0x11  }
0xbb: {  	s0 =	sor.u32 s1, s0  }
0xbc: {  	s0 =	sadd.s32 $0x8F2B, s0  }
0xbd: {  	[sflag:s0] =	ssyncadd.remote.s32 $0x1  }
0xbe: {  	_ =	sfence.sel $0xFFFF  }
0xbf: {  	[dreg:$0x0] =	wrdreg $0xFFFFFFFF;
	(pc) =	sbr.abs _section_cstart, $3  }
0xc0: {  	[dreg:$0x1] =	wrdreg $0xFFFFFFFF  }
0xc1: {  	_ =	task.clear_ibuf [dreg:s6], $0x2FFFF;
	_ =	strace $0x9FFFFFFF  }
0xc2: {  	(tm) =	ssettm $0x7FFFFFFF  }
0xc3: {  	_ =	shalt  }
tec
execute0_lowered:
.L_overlay_start_1:
0x0: {  	(tag) =	ssettag $0x1  }
0x1: {  	s4 =	rddreg [dreg:$0x0];
	s0 =	srdreg.scid  }
0x2: {  	s2 =	rddreg [dreg:$0x1];
	s1 =	stileid.u32;
	s3 =	simm.s32 $0x0  }
0x3: {  	s10 =	simm.s32 $0x1;
	s11 =	simm.s32 $0x50;
	s12 =	simm.s32 $0x2710  }
0x4: {  	s15 =	simm.s32 $0x0;
	s5 =	sand.u32 $0x1, s0;
	s0 =	rddreg [dreg:$0x2]  }
0x5: {  	s6 =	smul.u32 $0x280, s1;
	[smem:$0x7FF] =	sst s3;
	s13 =	sshll.u32 s1, $0x6  }
0x6: {  	s7 =	sshll.u32 s5, $0x4;
	s8 =	smul.u32 $0x2800, s5;
	_ =	strace $0x80000047  }
0x7: {  	s5 =	ssub.s32 $0x2, s5;
	s13 =	sor.u32 $0x1C02, s13;
	s7 =	sor.u32 s1, s7  }
0x8: {  	s9 =	sshrl.u32 s5, $0x1;
	s7 =	smul.u32 $0x2710, s7;
	s8 =	sadd.s32 s6, s8  }
0x9: {  	s9 =	ssub.s32 s5, s9;
	s5 =	sadd.s32 s6, s2;
	s8 =	sshrl.u32 s8, $0x3  }
0xa: {  	s14 =	sshrl.u32 s5, $0x3;
	s7 =	sshrl.u32 s7, $0x3;
	s8 =	sadd.s32 s8, s4  }
0xb: {  	s7 =	sadd.s32 s4, s7;
	s6 =	sadd.s32 $0x13E00, s8;
	s8 =	simm.s32 $0x2760  }
0xc: {  	v0 =	vimm.f32 $0.0e+00;
	v1 =	vimm.f32 $1.000000000e+00;
	s4 =	sadd.s32 $0xA040, s7;
	s7 =	smax.u32 s9, $0x1;
	s9 =	simm.s32 $0x2  }
.LBB2_1:
0xd: {  	[tilespmem:s3], [sflag:$0x1] =	stream.linear.gather [hbm4b:s4+s3], $0x2710, $0x38;
	[tilespmem:$0x2C60] =	vst v63  }
0xe: {  	[tilespmem:$0x2760] =	vst v0  }
0xf: {  	[tilespmem:$0x2770] =	vst v0  }
0x10: {  	[tilespmem:$0x2780] =	vst v0  }
0x11: {  	[tilespmem:$0x2790] =	vst v0  }
0x12: {  	[tilespmem:$0x27A0] =	vst v0  }
0x13: {  	[tilespmem:$0x27B0] =	vst v0  }
0x14: {  	[tilespmem:$0x27C0] =	vst v0  }
0x15: {  	[tilespmem:$0x27D0] =	vst v0  }
0x16: {  	[tilespmem:$0x27E0] =	vst v0  }
0x17: {  	[tilespmem:$0x27F0] =	vst v0  }
0x18: {  	[tilespmem:$0x2800] =	vst v0  }
0x19: {  	[tilespmem:$0x2810] =	vst v0  }
0x1a: {  	[tilespmem:$0x2820] =	vst v0  }
0x1b: {  	[tilespmem:$0x2830] =	vst v0  }
0x1c: {  	[tilespmem:$0x2840] =	vst v0  }
0x1d: {  	[tilespmem:$0x2850] =	vst v0  }
0x1e: {  	[tilespmem:$0x2860] =	vst v0  }
0x1f: {  	[tilespmem:$0x2870] =	vst v0  }
0x20: {  	[tilespmem:$0x2880] =	vst v0  }
0x21: {  	[tilespmem:$0x2890] =	vst v0  }
0x22: {  	[tilespmem:$0x28A0] =	vst v0  }
0x23: {  	[tilespmem:$0x28B0] =	vst v0  }
0x24: {  	[tilespmem:$0x28C0] =	vst v0  }
0x25: {  	[tilespmem:$0x28D0] =	vst v0  }
0x26: {  	[tilespmem:$0x28E0] =	vst v0  }
0x27: {  	[tilespmem:$0x28F0] =	vst v0  }
0x28: {  	[tilespmem:$0x2900] =	vst v0  }
0x29: {  	[tilespmem:$0x2910] =	vst v0  }
0x2a: {  	[tilespmem:$0x2920] =	vst v0  }
0x2b: {  	[tilespmem:$0x2930] =	vst v0  }
0x2c: {  	[tilespmem:$0x2940] =	vst v0  }
0x2d: {  	[tilespmem:$0x2950] =	vst v0  }
0x2e: {  	[tilespmem:$0x2960] =	vst v0  }
0x2f: {  	[tilespmem:$0x2970] =	vst v0  }
0x30: {  	[tilespmem:$0x2980] =	vst v0  }
0x31: {  	[tilespmem:$0x2990] =	vst v0  }
0x32: {  	[tilespmem:$0x29A0] =	vst v0  }
0x33: {  	[tilespmem:$0x29B0] =	vst v0  }
0x34: {  	[tilespmem:$0x29C0] =	vst v0  }
0x35: {  	[tilespmem:$0x29D0] =	vst v0  }
0x36: {  	[tilespmem:$0x2710] =	vst v1  }
0x37: {  	[tilespmem:$0x2720] =	vst v1  }
0x38: {  	[tilespmem:$0x2730] =	vst v1  }
0x39: {  	[tilespmem:$0x2740] =	vst v1  }
0x3a: {  	[tilespmem:$0x2750] =	vst v1  }
0x3b: {  	[spmem:s5] =	stream.linear.scatter [tilespmem:s8], [sflag:$0x2], $0x280, $0x38;
	[tilespmem:$0x2C60] =	vst v63  }
0x3c: {  	_ =	swait.ge [sflag:s9], $0x280  }
0x3d: {  	[sflag:s9] =	ssyncset.done $0x0  }
0x3e: {  	[sflag:s9] =	ssyncadd.s32 $0xFFFFFD80  }
0x3f: {  	[bflag:$0x0] =	sbarrier.arrive $0xFFFF  }
0x40: {  	_ =	swait.ge [sflag:s10], $0x2710  }
0x41: {  	[sflag:s10] =	ssyncset.done $0x0  }
0x42: {  	s16 =	simm.s32 $0x0;
	[sflag:s10] =	ssyncadd.s32 $0xFFFFD8F0  }
0x43: {  	[spmem:s2] =	stream.indirect.scatter.add.f32 [tilespmem:s12], [sflag:$0x2], $0x1, s16, s11, $0xb8;
	[tilespmem:$0x2C60] =	vst v63  }
0x44: {  	_ =	swait.ge [sflag:s9], $0x50  }
0x45: {  	s16 =	simm.s32 $0x140;
	[sflag:s9] =	ssyncset.done $0x0  }
.LBB2_2:
0x46: {  	s17 =	sshra.s32 s16, $0x2;
	[sflag:s9] =	ssyncadd.s32 $0xFFFFFFB0;
	p0 =	sne.s32 s16, $0x9B00  }
0x47: {  	[spmem:s2] =	stream.indirect.scatter.add.f32 [tilespmem:s12], [sflag:$0x2], $0x1, s17, s11, $0xb8;
	[tilespmem:$0x2C60] =	vst v63  }
.Ltmp0:
0x48: {  	_ = 	snop;
	(pc) =	sbr.rel @p0 .LBB2_2-.Ltmp0, $4  }
0x49: {  	_ = 	snop  }
0x4a: {  	s16 =	sadd.s32 $0x140, s16  }
0x4b: {  	_ =	swait.ge [sflag:s9], $0x50  }
0x4c: {  	[sflag:s9] =	ssyncset.done $0x0  }
0x4d: {  	s15 =	sadd.s32 $0x1, s15  }
0x4e: {  	[sflag:s9] =	ssyncadd.s32 $0xFFFFFFB0;
	p0 =	sne.s32 s15, s7  }
.Ltmp1:
0x4f: {  	[bflag:$0x0] =	sbarrier.arrive $0xFFFF;
	(pc) =	sbr.rel @p0 .LBB2_1-.Ltmp1, $4  }
0x50: {  	[hbm:s6], [sflag:s13] =	dma.local [spmem:s14], $0x50  }
0x51: {  	_ =	swait.ge [sflag:s9], $0x50  }
0x52: {  	[sflag:s9] =	ssyncset.done $0x0  }
0x53: {  	[sflag:s9] =	ssyncadd.s32 $0xFFFFFFB0  }
0x54: {  	_ =	sfence.sel $0x180000  }
0x55: {  	[bflag:$0x0] =	sbarrier.arrive $0xFFFF  }
0x56: {  	p0 =	sne.s32 s1, $0x0;
	_ =	strace $0x90000047  }
0x57: {  	s0 =	sadd.s32 @!p0 $0x100000, s0;
	[bflag:$0x2] =	sbarrier.arrive $0xFFFF  }
0x58: {  	[sflag:s0] =	ssyncadd.tile.s32 @!p0 $0x1;
	_ =	shalt  }
.Lfunc_end2:
_tile_overlayer_lowered:
.L_overlay_start_2:
0x59: {  	(tag) =	ssettag $0x2  }
0x5a: {  	s0 =	rddreg [dreg:$0x0];
	s2 =	stileid.u32  }
0x5b: {  	s1 =	rddreg [dreg:$0x1];
	p0 =	sne.s32 s2, $0x0  }
0x5c: {  	s3 =	rddreg [dreg:$0x2];
	[bflag:$0x3] =	sbarrier.arrive $0xFFFF;
	s2 =	simm.s32 @!p0 $0x1C02  }
0x5d: {  	[timem:s3], [sflag:s2] =	dma.local @!p0 [hbm:s0], s1  }
0x5e: {  	s0 =	simm.s32 @!p0 $0x2  }
0x5f: {  	_ =	swait.ge @!p0 [sflag:s0], s1  }
0x60: {  	s1 =	ssub.s32 @!p0 $0x0, s1;
	[sflag:s0] =	ssyncset.done @!p0 $0x0  }
0x61: {  	[sflag:s0] =	ssyncadd.s32 @!p0 s1  }
0x62: {  	[bflag:$0x3] =	sbarrier.arrive $0xFFFF  }
0x63: {  	_ =	shalt  }

</sc_bundles>
